<compile_context>
chip_gen: v7x
topology: tpu7x:2x2x1
jax: 0.10.2.dev20260603
libtpu: 0.0.44.dev20260713+nightly
codegen_flags: <defaults>
</compile_context>

<pallas_src>
import jax
import jax.numpy as jnp
from jax import lax
from jax.experimental import pallas as pl
from jax.experimental.pallas import tpu as pltpu
from jax.experimental.pallas import tpu_sc as plsc

NUM_HIDDENS = 384
EMBED_DIM = 256
N_EMBED = 1024
KL_WEIGHT = 0.0005
B = 8
HW = 576

_NC = 2
_NS = 16
_NW = _NC * _NS
_D_PER_W = EMBED_DIM // _NW
_LANES = 16
_CHUNKS = HW // _LANES


def _tc_body(z_ref, w_ref, b_ref, ind_ref, loss_ref):
    b = pl.program_id(0)
    zb = z_ref[0]
    logits = jax.lax.dot_general(
        w_ref[...], zb, (((1,), (0,)), ((), ())),
        preferred_element_type=jnp.float32)
    logits = logits + b_ref[...]
    m = jnp.max(logits, axis=0, keepdims=True)
    t = logits - m
    e = jnp.exp(t)
    zsum = jnp.sum(e, axis=0, keepdims=True)
    sxm = jnp.sum(e * t, axis=0, keepdims=True)
    kl_cols = jnp.log(jnp.float32(N_EMBED)) + sxm / zsum - jnp.log(zsum)
    kl = jnp.sum(kl_cols)
    rows = jax.lax.broadcasted_iota(jnp.int32, (N_EMBED, HW), 0)
    ind = jnp.min(jnp.where(e == 1.0, rows, jnp.int32(1 << 30)), axis=0)
    ind_ref[0, 0, :] = ind

    @pl.when(b == 0)
    def _():
        loss_ref[...] = jnp.zeros((1, 1), jnp.float32)

    loss_ref[...] += jnp.full((1, 1), kl, jnp.float32)

    @pl.when(b == B - 1)
    def _():
        loss_ref[...] *= jnp.float32(KL_WEIGHT / (B * HW))


def _sc_body(et_hbm, ind_hbm, out_hbm, tab_v, idx_v, obuf_v, sem2):
    wid = lax.axis_index("s") * _NC + lax.axis_index("c")
    d0 = wid * _D_PER_W
    cp_tab = pltpu.make_async_copy(
        et_hbm.at[pl.ds(d0 * N_EMBED, _D_PER_W * N_EMBED)], tab_v, sem2)
    cp_idx = pltpu.make_async_copy(ind_hbm, idx_v, sem2)
    cp_tab.start()
    cp_idx.start()
    cp_tab.wait()
    cp_idx.wait()

    @plsc.parallel_loop(0, B * _CHUNKS, 1, unroll=4)
    def _chunk(i):
        b = i // _CHUNKS
        c = i - b * _CHUNKS
        idx = idx_v[b, 0, pl.ds(c * _LANES, _LANES)]
        for dl in range(_D_PER_W):
            obuf_v[b, dl, pl.ds(c * _LANES, _LANES)] = plsc.load_gather(
                tab_v, [idx + jnp.int32(dl * N_EMBED)])

    pltpu.sync_copy(obuf_v, out_hbm.at[:, pl.ds(d0, _D_PER_W)])


_sc_gather = pl.kernel(
    _sc_body,
    out_type=jax.ShapeDtypeStruct((B, EMBED_DIM, HW), jnp.float32),
    mesh=plsc.VectorSubcoreMesh(core_axis_name="c", subcore_axis_name="s"),
    scratch_types=[
        pltpu.VMEM((_D_PER_W * N_EMBED,), jnp.float32),
        pltpu.VMEM((B, 1, HW), jnp.int32),
        pltpu.VMEM((B, _D_PER_W, HW), jnp.float32),
        pltpu.SemaphoreType.DMA,
    ],
    compiler_params=pltpu.CompilerParams(needs_layout_passes=False),
)


@jax.jit
def kernel(z, W_proj, b_proj, embed_w):
    zf = z.reshape(B, NUM_HIDDENS, HW)
    b2 = b_proj.reshape(N_EMBED, 1)
    embed_wT = embed_w.T.reshape(-1)
    ind3, loss = pl.pallas_call(
        _tc_body,
        grid=(B,),
        in_specs=[
            pl.BlockSpec((1, NUM_HIDDENS, HW), lambda b: (b, 0, 0)),
            pl.BlockSpec((N_EMBED, NUM_HIDDENS), lambda b: (0, 0)),
            pl.BlockSpec((N_EMBED, 1), lambda b: (0, 0)),
        ],
        out_specs=[
            pl.BlockSpec((1, 1, HW), lambda b: (b, 0, 0)),
            pl.BlockSpec((1, 1), lambda b: (0, 0)),
        ],
        out_shape=[
            jax.ShapeDtypeStruct((B, 1, HW), jnp.int32),
            jax.ShapeDtypeStruct((1, 1), jnp.float32),
        ],
    )(zf, W_proj, b2)
    zq = _sc_gather(embed_wT, ind3)
    z_q = zq.reshape(B, EMBED_DIM, 24, 24)
    ind = ind3.reshape(B, 24, 24)
    prior_loss = loss[0, 0]
    return (z_q, prior_loss, ind)

# --- scband reference (transcript-rebuilt; emitter-appended) ---
"""Pipeline reference for scband-mix-quantize-21620865368348 (READ-ONLY COPY).

The authoritative reference and input builder live on the scoring server;
editing this copy changes nothing except your own understanding.
"""

import jax, jax.numpy as jnp
import numpy as np

NUM_HIDDENS = 384
EMBED_DIM = 256
N_EMBED = 1024
KL_WEIGHT = 0.0005


def setup_inputs(seed: int = 0) -> dict:
    key = jax.random.key(seed)
    k1, k2, k3 = jax.random.split(key, 3)
    z = jax.random.normal(k1, (8, NUM_HIDDENS, 24, 24), dtype=jnp.float32)
    # proj: Conv2d(num_hiddens, n_embed, kernel_size=1) -> weight [n_embed, num_hiddens], bias [n_embed]
    W_proj = jax.random.normal(k2, (N_EMBED, NUM_HIDDENS), dtype=jnp.float32) * 0.05
    b_proj = jnp.zeros((N_EMBED,), dtype=jnp.float32)
    # embed: Embedding(n_embed, embedding_dim)
    embed_w = jax.random.normal(k3, (N_EMBED, EMBED_DIM), dtype=jnp.float32)
    return {"z": z, "W_proj": W_proj, "b_proj": b_proj, "embed_w": embed_w}


def reference(z, W_proj, b_proj, embed_w):
    # Eval-mode path of MixQuantize.forward (training=False, hard argmax one-hot,
    # use_vqinterface=False, remap=None): returns (z_q, prior_loss, ind).
    # 1x1 conv projection: [B, C, H, W] -> [B, N_EMBED, H, W]
    logits = jnp.einsum('bchw,nc->bnhw', z, W_proj) + b_proj[None, :, None, None]
    # hard one-hot via argmax over the codebook axis (dim=1)
    y_soft = jax.nn.softmax(logits, axis=1)
    ind = jnp.argmax(y_soft, axis=1)  # [B, H, W]
    one_hot = jax.nn.one_hot(ind, N_EMBED, dtype=logits.dtype)  # [B, H, W, N]
    # z_q = einsum('b n h w, n d -> b d h w', soft_one_hot, embed.weight)
    z_q = jnp.einsum('bhwn,nd->bdhw', one_hot, embed_w)
    # KL prior loss
    qy = jax.nn.softmax(logits, axis=1)
    prior_loss = KL_WEIGHT * jnp.mean(jnp.sum(qy * jnp.log(qy * N_EMBED + 1e-10), axis=1))
    return (z_q, prior_loss, ind)

if __name__ == "__main__":
    import jax
    _d = setup_inputs()
    print(jax.jit(kernel)(*tuple(_d.values())))

</pallas_src>

<mosaic_0001>
#map = affine_map<(d0, d1) -> (0)>
#map1 = affine_map<(d0, d1) -> (0, 0, 0)>
module attributes {stable_mosaic.version = 14 : i64} {
  func.func @_sc_body(%arg0: i32, %arg1: i32, %arg2: memref<262144xf32, #tpu.memory_space<hbm>>, %arg3: memref<8x1x576xi32, #tpu.memory_space<hbm>>, %arg4: memref<8x256x576xf32, #tpu.memory_space<hbm>>, %arg5: memref<8192xf32, #tpu.memory_space<vmem>>, %arg6: memref<8x1x576xi32, #tpu.memory_space<vmem>>, %arg7: memref<8x8x576xf32, #tpu.memory_space<vmem>>, %arg8: memref<!tpu.dma_semaphore, #tpu.memory_space<semaphore_mem>>) attributes {dimension_semantics = [#tpu.dimension_semantics<core_parallel>, #tpu.dimension_semantics<subcore_parallel>], iteration_bounds = array<i64: 2, 16>, scalar_prefetch = 0 : i64, scratch_operands = 4 : i64, tpu.core_type = #tpu.core_type<sc_vector_subcore>, window_params = [{transform_indices = #map}, {transform_indices = #map1}, {transform_indices = #map1}]} {
    %mul3A = arith.constant 2 : i32
    %mul3A_0 = arith.muli %arg1, %mul3A : i32
    %add3A = arith.addi %mul3A_0, %arg0 : i32
    %mul3A_1 = arith.constant 8 : i32
    %mul3A_2 = arith.muli %add3A, %mul3A_1 : i32
    %mul3A_3 = arith.constant 1024 : i32
    %mul3A_4 = arith.muli %mul3A_2, %mul3A_3 : i32
    %dma_start3A = tpu.memref_slice %arg2[%mul3A_4] : memref<262144xf32, #tpu.memory_space<hbm>> -> memref<8192xf32, #tpu.memory_space<hbm>>
    %dma_start3A_5 = tpu.memref_slice %arg2[%mul3A_4] : memref<262144xf32, #tpu.memory_space<hbm>> -> memref<8192xf32, #tpu.memory_space<hbm>>
    tpu.enqueue_dma source(%dma_start3A_5 : memref<8192xf32, #tpu.memory_space<hbm>>) target(%arg5 : memref<8192xf32, #tpu.memory_space<vmem>>) target_semaphore(%arg8 : memref<!tpu.dma_semaphore, #tpu.memory_space<semaphore_mem>>)
    tpu.enqueue_dma source(%arg3 : memref<8x1x576xi32, #tpu.memory_space<hbm>>) target(%arg6 : memref<8x1x576xi32, #tpu.memory_space<vmem>>) target_semaphore(%arg8 : memref<!tpu.dma_semaphore, #tpu.memory_space<semaphore_mem>>)
    %dma_wait3A = tpu.memref_slice %arg2[%mul3A_4] : memref<262144xf32, #tpu.memory_space<hbm>> -> memref<8192xf32, #tpu.memory_space<hbm>>
    %dma_wait3A_6 = tpu.memref_slice %arg2[%mul3A_4] : memref<262144xf32, #tpu.memory_space<hbm>> -> memref<8192xf32, #tpu.memory_space<hbm>>
    tpu.wait_dma2 semaphore(%arg8 : memref<!tpu.dma_semaphore, #tpu.memory_space<semaphore_mem>>) src(%dma_wait3A_6 : memref<8192xf32, #tpu.memory_space<hbm>>) dst(%arg5 : memref<8192xf32, #tpu.memory_space<vmem>>)
    tpu.wait_dma2 semaphore(%arg8 : memref<!tpu.dma_semaphore, #tpu.memory_space<semaphore_mem>>) src(%arg3 : memref<8x1x576xi32, #tpu.memory_space<hbm>>) dst(%arg6 : memref<8x1x576xi32, #tpu.memory_space<vmem>>)
    %parallel_loop3A = arith.constant 0 : i32
    %parallel_loop3A_7 = arith.constant 288 : i32
    %parallel_loop3A_8 = arith.constant 1 : i32
    scf.for %parallel_loop3A_9 = %parallel_loop3A to %parallel_loop3A_7 step %parallel_loop3A_8  : i32 {
      %parallel_loop3A_10 = arith.constant 36 : i32
      %parallel_loop3A_11 = arith.divsi %parallel_loop3A_9, %parallel_loop3A_10 : i32
      %parallel_loop3A_12 = arith.constant 0 : i32
      %parallel_loop3A_13 = arith.cmpi sgt, %parallel_loop3A_9, %parallel_loop3A_12 : i32
      %parallel_loop3A_14 = arith.extui %parallel_loop3A_13 : i1 to i32
      %parallel_loop3A_15 = arith.constant 0 : i32
      %parallel_loop3A_16 = arith.cmpi slt, %parallel_loop3A_9, %parallel_loop3A_15 : i32
      %parallel_loop3A_17 = arith.extui %parallel_loop3A_16 : i1 to i32
      %parallel_loop3A_18 = arith.subi %parallel_loop3A_14, %parallel_loop3A_17 : i32
      %parallel_loop3A_19 = arith.constant 0 : i32
      %parallel_loop3A_20 = arith.cmpi sgt, %parallel_loop3A_10, %parallel_loop3A_19 : i32
      %parallel_loop3A_21 = arith.extui %parallel_loop3A_20 : i1 to i32
      %parallel_loop3A_22 = arith.constant 0 : i32
      %parallel_loop3A_23 = arith.cmpi slt, %parallel_loop3A_10, %parallel_loop3A_22 : i32
      %parallel_loop3A_24 = arith.extui %parallel_loop3A_23 : i1 to i32
      %parallel_loop3A_25 = arith.subi %parallel_loop3A_21, %parallel_loop3A_24 : i32
      %parallel_loop3A_26 = arith.cmpi ne, %parallel_loop3A_18, %parallel_loop3A_25 : i32
      %parallel_loop3A_27 = arith.remsi %parallel_loop3A_9, %parallel_loop3A_10 : i32
      %parallel_loop3A_28 = arith.constant 0 : i32
      %parallel_loop3A_29 = arith.cmpi ne, %parallel_loop3A_27, %parallel_loop3A_28 : i32
      %parallel_loop3A_30 = arith.andi %parallel_loop3A_26, %parallel_loop3A_29 : i1
      %parallel_loop3A_31 = arith.constant 1 : i32
      %parallel_loop3A_32 = arith.subi %parallel_loop3A_11, %parallel_loop3A_31 : i32
      %parallel_loop3A_33 = arith.select %parallel_loop3A_30, %parallel_loop3A_32, %parallel_loop3A_11 : i32
      %parallel_loop3A_34 = arith.constant 36 : i32
      %parallel_loop3A_35 = arith.muli %parallel_loop3A_33, %parallel_loop3A_34 : i32
      %parallel_loop3A_36 = arith.subi %parallel_loop3A_9, %parallel_loop3A_35 : i32
      %parallel_loop3A_37 = arith.constant 16 : i32
      %parallel_loop3A_38 = arith.muli %parallel_loop3A_36, %parallel_loop3A_37 : i32
      %parallel_loop3A_39 = arith.constant 0 : i32
      %parallel_loop3A_40 = arith.index_cast %parallel_loop3A_33 : i32 to index
      %parallel_loop3A_41 = arith.index_cast %parallel_loop3A_39 : i32 to index
      %parallel_loop3A_42 = arith.index_cast %parallel_loop3A_38 : i32 to index
      %parallel_loop3A_43 = tpu.vector_load %arg6[%parallel_loop3A_40, %parallel_loop3A_41, %parallel_loop3A_42] {strides = array<i32>} : memref<8x1x576xi32, #tpu.memory_space<vmem>>, vector<16xi32>,
      %parallel_loop3A_44 = arith.constant 0 : i32
      %parallel_loop3A_45 = vector.broadcast %parallel_loop3A_44 : i32 to vector<16xi32>
      %parallel_loop3A_46 = arith.addi %parallel_loop3A_43, %parallel_loop3A_45 : vector<16xi32>
      %parallel_loop3A_47 = tpu.vector_load_idx %arg5[%parallel_loop3A_46] : memref<8192xf32, #tpu.memory_space<vmem>>[vector<16xi32>], vector<16xf32>,
      %parallel_loop3A_48 = arith.constant 16 : i32
      %parallel_loop3A_49 = arith.muli %parallel_loop3A_36, %parallel_loop3A_48 : i32
      %parallel_loop3A_50 = arith.constant 0 : i32
      %parallel_loop3A_51 = arith.index_cast %parallel_loop3A_33 : i32 to index
      %parallel_loop3A_52 = arith.index_cast %parallel_loop3A_50 : i32 to index
      %parallel_loop3A_53 = arith.index_cast %parallel_loop3A_49 : i32 to index
      %parallel_loop3A_54 = tpu.vector_load %arg7[%parallel_loop3A_51, %parallel_loop3A_52, %parallel_loop3A_53] {strides = array<i32>} : memref<8x8x576xf32, #tpu.memory_space<vmem>>, vector<16xf32>,
      tpu.vector_store %arg7[%parallel_loop3A_51, %parallel_loop3A_52, %parallel_loop3A_53], %parallel_loop3A_47 {strides = array<i32>} : memref<8x8x576xf32, #tpu.memory_space<vmem>>, vector<16xf32>,
      %parallel_loop3A_55 = arith.constant 1024 : i32
      %parallel_loop3A_56 = vector.broadcast %parallel_loop3A_55 : i32 to vector<16xi32>
      %parallel_loop3A_57 = arith.addi %parallel_loop3A_43, %parallel_loop3A_56 : vector<16xi32>
      %parallel_loop3A_58 = tpu.vector_load_idx %arg5[%parallel_loop3A_57] : memref<8192xf32, #tpu.memory_space<vmem>>[vector<16xi32>], vector<16xf32>,
      %parallel_loop3A_59 = arith.constant 16 : i32
      %parallel_loop3A_60 = arith.muli %parallel_loop3A_36, %parallel_loop3A_59 : i32
      %parallel_loop3A_61 = arith.constant 1 : i32
      %parallel_loop3A_62 = arith.index_cast %parallel_loop3A_33 : i32 to index
      %parallel_loop3A_63 = arith.index_cast %parallel_loop3A_61 : i32 to index
      %parallel_loop3A_64 = arith.index_cast %parallel_loop3A_60 : i32 to index
      %parallel_loop3A_65 = tpu.vector_load %arg7[%parallel_loop3A_62, %parallel_loop3A_63, %parallel_loop3A_64] {strides = array<i32>} : memref<8x8x576xf32, #tpu.memory_space<vmem>>, vector<16xf32>,
      tpu.vector_store %arg7[%parallel_loop3A_62, %parallel_loop3A_63, %parallel_loop3A_64], %parallel_loop3A_58 {strides = array<i32>} : memref<8x8x576xf32, #tpu.memory_space<vmem>>, vector<16xf32>,
      %parallel_loop3A_66 = arith.constant 2048 : i32
      %parallel_loop3A_67 = vector.broadcast %parallel_loop3A_66 : i32 to vector<16xi32>
      %parallel_loop3A_68 = arith.addi %parallel_loop3A_43, %parallel_loop3A_67 : vector<16xi32>
      %parallel_loop3A_69 = tpu.vector_load_idx %arg5[%parallel_loop3A_68] : memref<8192xf32, #tpu.memory_space<vmem>>[vector<16xi32>], vector<16xf32>,
      %parallel_loop3A_70 = arith.constant 16 : i32
      %parallel_loop3A_71 = arith.muli %parallel_loop3A_36, %parallel_loop3A_70 : i32
      %parallel_loop3A_72 = arith.constant 2 : i32
      %parallel_loop3A_73 = arith.index_cast %parallel_loop3A_33 : i32 to index
      %parallel_loop3A_74 = arith.index_cast %parallel_loop3A_72 : i32 to index
      %parallel_loop3A_75 = arith.index_cast %parallel_loop3A_71 : i32 to index
      %parallel_loop3A_76 = tpu.vector_load %arg7[%parallel_loop3A_73, %parallel_loop3A_74, %parallel_loop3A_75] {strides = array<i32>} : memref<8x8x576xf32, #tpu.memory_space<vmem>>, vector<16xf32>,
      tpu.vector_store %arg7[%parallel_loop3A_73, %parallel_loop3A_74, %parallel_loop3A_75], %parallel_loop3A_69 {strides = array<i32>} : memref<8x8x576xf32, #tpu.memory_space<vmem>>, vector<16xf32>,
      %parallel_loop3A_77 = arith.constant 3072 : i32
      %parallel_loop3A_78 = vector.broadcast %parallel_loop3A_77 : i32 to vector<16xi32>
      %parallel_loop3A_79 = arith.addi %parallel_loop3A_43, %parallel_loop3A_78 : vector<16xi32>
      %parallel_loop3A_80 = tpu.vector_load_idx %arg5[%parallel_loop3A_79] : memref<8192xf32, #tpu.memory_space<vmem>>[vector<16xi32>], vector<16xf32>,
      %parallel_loop3A_81 = arith.constant 16 : i32
      %parallel_loop3A_82 = arith.muli %parallel_loop3A_36, %parallel_loop3A_81 : i32
      %parallel_loop3A_83 = arith.constant 3 : i32
      %parallel_loop3A_84 = arith.index_cast %parallel_loop3A_33 : i32 to index
      %parallel_loop3A_85 = arith.index_cast %parallel_loop3A_83 : i32 to index
      %parallel_loop3A_86 = arith.index_cast %parallel_loop3A_82 : i32 to index
      %parallel_loop3A_87 = tpu.vector_load %arg7[%parallel_loop3A_84, %parallel_loop3A_85, %parallel_loop3A_86] {strides = array<i32>} : memref<8x8x576xf32, #tpu.memory_space<vmem>>, vector<16xf32>,
      tpu.vector_store %arg7[%parallel_loop3A_84, %parallel_loop3A_85, %parallel_loop3A_86], %parallel_loop3A_80 {strides = array<i32>} : memref<8x8x576xf32, #tpu.memory_space<vmem>>, vector<16xf32>,
      %parallel_loop3A_88 = arith.constant 4096 : i32
      %parallel_loop3A_89 = vector.broadcast %parallel_loop3A_88 : i32 to vector<16xi32>
      %parallel_loop3A_90 = arith.addi %parallel_loop3A_43, %parallel_loop3A_89 : vector<16xi32>
      %parallel_loop3A_91 = tpu.vector_load_idx %arg5[%parallel_loop3A_90] : memref<8192xf32, #tpu.memory_space<vmem>>[vector<16xi32>], vector<16xf32>,
      %parallel_loop3A_92 = arith.constant 16 : i32
      %parallel_loop3A_93 = arith.muli %parallel_loop3A_36, %parallel_loop3A_92 : i32
      %parallel_loop3A_94 = arith.constant 4 : i32
      %parallel_loop3A_95 = arith.index_cast %parallel_loop3A_33 : i32 to index
      %parallel_loop3A_96 = arith.index_cast %parallel_loop3A_94 : i32 to index
      %parallel_loop3A_97 = arith.index_cast %parallel_loop3A_93 : i32 to index
      %parallel_loop3A_98 = tpu.vector_load %arg7[%parallel_loop3A_95, %parallel_loop3A_96, %parallel_loop3A_97] {strides = array<i32>} : memref<8x8x576xf32, #tpu.memory_space<vmem>>, vector<16xf32>,
      tpu.vector_store %arg7[%parallel_loop3A_95, %parallel_loop3A_96, %parallel_loop3A_97], %parallel_loop3A_91 {strides = array<i32>} : memref<8x8x576xf32, #tpu.memory_space<vmem>>, vector<16xf32>,
      %parallel_loop3A_99 = arith.constant 5120 : i32
      %parallel_loop3A_100 = vector.broadcast %parallel_loop3A_99 : i32 to vector<16xi32>
      %parallel_loop3A_101 = arith.addi %parallel_loop3A_43, %parallel_loop3A_100 : vector<16xi32>
      %parallel_loop3A_102 = tpu.vector_load_idx %arg5[%parallel_loop3A_101] : memref<8192xf32, #tpu.memory_space<vmem>>[vector<16xi32>], vector<16xf32>,
      %parallel_loop3A_103 = arith.constant 16 : i32
      %parallel_loop3A_104 = arith.muli %parallel_loop3A_36, %parallel_loop3A_103 : i32
      %parallel_loop3A_105 = arith.constant 5 : i32
      %parallel_loop3A_106 = arith.index_cast %parallel_loop3A_33 : i32 to index
      %parallel_loop3A_107 = arith.index_cast %parallel_loop3A_105 : i32 to index
      %parallel_loop3A_108 = arith.index_cast %parallel_loop3A_104 : i32 to index
      %parallel_loop3A_109 = tpu.vector_load %arg7[%parallel_loop3A_106, %parallel_loop3A_107, %parallel_loop3A_108] {strides = array<i32>} : memref<8x8x576xf32, #tpu.memory_space<vmem>>, vector<16xf32>,
      tpu.vector_store %arg7[%parallel_loop3A_106, %parallel_loop3A_107, %parallel_loop3A_108], %parallel_loop3A_102 {strides = array<i32>} : memref<8x8x576xf32, #tpu.memory_space<vmem>>, vector<16xf32>,
      %parallel_loop3A_110 = arith.constant 6144 : i32
      %parallel_loop3A_111 = vector.broadcast %parallel_loop3A_110 : i32 to vector<16xi32>
      %parallel_loop3A_112 = arith.addi %parallel_loop3A_43, %parallel_loop3A_111 : vector<16xi32>
      %parallel_loop3A_113 = tpu.vector_load_idx %arg5[%parallel_loop3A_112] : memref<8192xf32, #tpu.memory_space<vmem>>[vector<16xi32>], vector<16xf32>,
      %parallel_loop3A_114 = arith.constant 16 : i32
      %parallel_loop3A_115 = arith.muli %parallel_loop3A_36, %parallel_loop3A_114 : i32
      %parallel_loop3A_116 = arith.constant 6 : i32
      %parallel_loop3A_117 = arith.index_cast %parallel_loop3A_33 : i32 to index
      %parallel_loop3A_118 = arith.index_cast %parallel_loop3A_116 : i32 to index
      %parallel_loop3A_119 = arith.index_cast %parallel_loop3A_115 : i32 to index
      %parallel_loop3A_120 = tpu.vector_load %arg7[%parallel_loop3A_117, %parallel_loop3A_118, %parallel_loop3A_119] {strides = array<i32>} : memref<8x8x576xf32, #tpu.memory_space<vmem>>, vector<16xf32>,
      tpu.vector_store %arg7[%parallel_loop3A_117, %parallel_loop3A_118, %parallel_loop3A_119], %parallel_loop3A_113 {strides = array<i32>} : memref<8x8x576xf32, #tpu.memory_space<vmem>>, vector<16xf32>,
      %parallel_loop3A_121 = arith.constant 7168 : i32
      %parallel_loop3A_122 = vector.broadcast %parallel_loop3A_121 : i32 to vector<16xi32>
      %parallel_loop3A_123 = arith.addi %parallel_loop3A_43, %parallel_loop3A_122 : vector<16xi32>
      %parallel_loop3A_124 = tpu.vector_load_idx %arg5[%parallel_loop3A_123] : memref<8192xf32, #tpu.memory_space<vmem>>[vector<16xi32>], vector<16xf32>,
      %parallel_loop3A_125 = arith.constant 16 : i32
      %parallel_loop3A_126 = arith.muli %parallel_loop3A_36, %parallel_loop3A_125 : i32
      %parallel_loop3A_127 = arith.constant 7 : i32
      %parallel_loop3A_128 = arith.index_cast %parallel_loop3A_33 : i32 to index
      %parallel_loop3A_129 = arith.index_cast %parallel_loop3A_127 : i32 to index
      %parallel_loop3A_130 = arith.index_cast %parallel_loop3A_126 : i32 to index
      %parallel_loop3A_131 = tpu.vector_load %arg7[%parallel_loop3A_128, %parallel_loop3A_129, %parallel_loop3A_130] {strides = array<i32>} : memref<8x8x576xf32, #tpu.memory_space<vmem>>, vector<16xf32>,
      tpu.vector_store %arg7[%parallel_loop3A_128, %parallel_loop3A_129, %parallel_loop3A_130], %parallel_loop3A_124 {strides = array<i32>} : memref<8x8x576xf32, #tpu.memory_space<vmem>>, vector<16xf32>,
    } {sc.loop_unroll_factor = 4 : i64, sc.parallel_access}
    "tpu.region"() ({
      %run_scoped3A = tpu.sem_alloc : memref<!tpu.dma_semaphore, #tpu.memory_space<semaphore_mem>>
      %dma_start3A_9 = arith.constant 0 : i32
      %dma_start3A_10 = arith.constant 0 : i32
      %dma_start3A_11 = tpu.memref_slice %arg4[%dma_start3A_9, %mul3A_2, %dma_start3A_10] : memref<8x256x576xf32, #tpu.memory_space<hbm>> -> memref<8x8x576xf32, #tpu.memory_space<hbm>>
      %dma_start3A_12 = arith.constant 0 : i32
      %dma_start3A_13 = arith.constant 0 : i32
      %dma_start3A_14 = tpu.memref_slice %arg4[%dma_start3A_12, %mul3A_2, %dma_start3A_13] : memref<8x256x576xf32, #tpu.memory_space<hbm>> -> memref<8x8x576xf32, #tpu.memory_space<hbm>>
      tpu.enqueue_dma source(%arg7 : memref<8x8x576xf32, #tpu.memory_space<vmem>>) target(%dma_start3A_14 : memref<8x8x576xf32, #tpu.memory_space<hbm>>) target_semaphore(%run_scoped3A : memref<!tpu.dma_semaphore, #tpu.memory_space<semaphore_mem>>)
      %dma_wait3A_15 = arith.constant 0 : i32
      %dma_wait3A_16 = arith.constant 0 : i32
      %dma_wait3A_17 = tpu.memref_slice %arg4[%dma_wait3A_15, %mul3A_2, %dma_wait3A_16] : memref<8x256x576xf32, #tpu.memory_space<hbm>> -> memref<8x8x576xf32, #tpu.memory_space<hbm>>
      %dma_wait3A_18 = arith.constant 0 : i32
      %dma_wait3A_19 = arith.constant 0 : i32
      %dma_wait3A_20 = tpu.memref_slice %arg4[%dma_wait3A_18, %mul3A_2, %dma_wait3A_19] : memref<8x256x576xf32, #tpu.memory_space<hbm>> -> memref<8x8x576xf32, #tpu.memory_space<hbm>>
      tpu.wait_dma2 semaphore(%run_scoped3A : memref<!tpu.dma_semaphore, #tpu.memory_space<semaphore_mem>>) src(%arg7 : memref<8x8x576xf32, #tpu.memory_space<vmem>>) dst(%dma_wait3A_20 : memref<8x8x576xf32, #tpu.memory_space<hbm>>)
      tpu.yield
    }) : () -> ()
    return
  }
}

module attributes {stable_mosaic.version = 14 : i64} {
  func.func @_tc_body(%arg0: i32, %arg1: memref<1x384x576xf32, #tpu.memory_space<vmem>>, %arg2: memref<1024x384xf32, #tpu.memory_space<vmem>>, %arg3: memref<1024x1xf32, #tpu.memory_space<vmem>>, %arg4: memref<1x1x576xi32, #tpu.memory_space<vmem>>, %arg5: memref<1x1xf32, #tpu.memory_space<vmem>>) attributes {dimension_semantics = [#tpu.dimension_semantics<arbitrary>], iteration_bounds = array<i64: 8>, scalar_prefetch = 0 : i64, scratch_operands = 0 : i64, tpu.core_type = #tpu.core_type<tc>, window_params = [{transform_indices = @transform_0, window_bounds = array<i64: 1, 384, 576>}, {pipeline_mode = #tpu.pipeline_mode<synchronous>, transform_indices = @transform_1, window_bounds = array<i64: 1024, 384>}, {pipeline_mode = #tpu.pipeline_mode<synchronous>, transform_indices = @transform_2, window_bounds = array<i64: 1024, 1>}, {transform_indices = @transform_3, window_bounds = array<i64: 1, 1, 576>}, {pipeline_mode = #tpu.pipeline_mode<synchronous>, transform_indices = @transform_4, window_bounds = array<i64: 1, 1>}]} {
    %get3A = arith.constant 0 : index
    %get3A_0 = arith.constant 0 : index
    %get3A_1 = arith.constant 0 : index
    %get3A_2 = vector.load %arg1[%get3A, %get3A_0, %get3A_1] : memref<1x384x576xf32, #tpu.memory_space<vmem>>, vector<1x384x576xf32>
    %get3A_3 = vector.shape_cast %get3A_2 : vector<1x384x576xf32> to vector<384x576xf32>
    %get3A_4 = arith.constant 0 : index
    %get3A_5 = arith.constant 0 : index
    %get3A_6 = vector.load %arg2[%get3A_4, %get3A_5] : memref<1024x384xf32, #tpu.memory_space<vmem>>, vector<1024x384xf32>
    %dot_general3A = arith.constant dense<0.000000e+00> : vector<1024x576xf32>
    %dot_general3A_7 = tpu.matmul %get3A_6, %get3A_3, %dot_general3A {dimension_numbers = #tpu.dot_dimension_numbers<[1], [0], [0], [1], [0, 0, 1, 1], [], []>, transpose_lhs_hint = false} : vector<1024x384xf32>, vector<384x576xf32>, vector<1024x576xf32> -> vector<1024x576xf32>
    %get3A_8 = arith.constant 0 : index
    %get3A_9 = arith.constant 0 : index
    %get3A_10 = vector.load %arg3[%get3A_8, %get3A_9] : memref<1024x1xf32, #tpu.memory_space<vmem>>, vector<1024x1xf32>
    %add3A = vector.broadcast %get3A_10 : vector<1024x1xf32> to vector<1024x576xf32>
    %add3A_11 = arith.addf %dot_general3A_7, %add3A : vector<1024x576xf32>
    %reduce_max3A = arith.constant dense<0xFF800000> : vector<576xf32>
    %reduce_max3A_12 = vector.multi_reduction <maximumf>, %add3A_11, %reduce_max3A [0] : vector<1024x576xf32> to vector<576xf32>
    %broadcast_in_dim3A = vector.shape_cast %reduce_max3A_12 : vector<576xf32> to vector<1x576xf32>
    %sub3A = vector.broadcast %broadcast_in_dim3A : vector<1x576xf32> to vector<1024x576xf32>
    %sub3A_13 = arith.subf %add3A_11, %sub3A : vector<1024x576xf32>
    %exp3A = math.exp %sub3A_13 : vector<1024x576xf32>
    %reduce_sum3A = arith.constant dense<0.000000e+00> : vector<576xf32>
    %reduce_sum3A_14 = vector.multi_reduction <add>, %exp3A, %reduce_sum3A [0] : vector<1024x576xf32> to vector<576xf32>
    %broadcast_in_dim3A_15 = vector.shape_cast %reduce_sum3A_14 : vector<576xf32> to vector<1x576xf32>
    %mul3A = arith.mulf %exp3A, %sub3A_13 : vector<1024x576xf32>
    %reduce_sum3A_16 = arith.constant dense<0.000000e+00> : vector<576xf32>
    %reduce_sum3A_17 = vector.multi_reduction <add>, %mul3A, %reduce_sum3A_16 [0] : vector<1024x576xf32> to vector<576xf32>
    %broadcast_in_dim3A_18 = vector.shape_cast %reduce_sum3A_17 : vector<576xf32> to vector<1x576xf32>
    %log3A = arith.constant 1.024000e+03 : f32
    %log3A_19 = math.log %log3A : f32
    %div3A = arith.divf %broadcast_in_dim3A_18, %broadcast_in_dim3A_15 : vector<1x576xf32>
    %add3A_20 = vector.broadcast %log3A_19 : f32 to vector<1x576xf32>
    %add3A_21 = arith.addf %add3A_20, %div3A : vector<1x576xf32>
    %log3A_22 = math.log %broadcast_in_dim3A_15 : vector<1x576xf32>
    %sub3A_23 = arith.subf %add3A_21, %log3A_22 : vector<1x576xf32>
    %reduce_sum3A_24 = vector.shape_cast %sub3A_23 : vector<1x576xf32> to vector<1x1x576xf32>
    %reduce_sum3A_25 = arith.constant dense<0.000000e+00> : vector<1xf32>
    %reduce_sum3A_26 = vector.multi_reduction <add>, %reduce_sum3A_24, %reduce_sum3A_25 [1, 2] : vector<1x1x576xf32> to vector<1xf32>
    %reduce_sum3A_27 = vector.shape_cast %reduce_sum3A_26 : vector<1xf32> to vector<1x1x1xf32>
    %reduce_sum3A_28 = vector.extract %reduce_sum3A_27[0, 0, 0] : f32 from vector<1x1x1xf32>
    %iota3A = tpu.iota {dimensions = array<i32: 0>} : vector<1024x576xi32>
    %eq3A = arith.constant 1.000000e+00 : f32
    %eq3A_29 = vector.broadcast %eq3A : f32 to vector<1024x576xf32>
    %eq3A_30 = arith.cmpf oeq, %exp3A, %eq3A_29 : vector<1024x576xf32>
    %jit3A = arith.constant 1073741824 : i32
    %broadcast_in_dim3A_31 = vector.broadcast %jit3A : i32 to vector<1024x576xi32>
    %select_n3A = arith.select %eq3A_30, %iota3A, %broadcast_in_dim3A_31 : vector<1024x576xi1>, vector<1024x576xi32>
    %reduce_min3A = arith.constant dense<2147483647> : vector<576xi32>
    %reduce_min3A_32 = vector.multi_reduction <minsi>, %select_n3A, %reduce_min3A [0] : vector<1024x576xi32> to vector<576xi32>
    %swap3A = arith.constant 0 : index
    %swap3A_33 = arith.constant 0 : index
    %swap3A_34 = arith.constant 0 : index
    %swap3A_35 = vector.load %arg4[%swap3A, %swap3A_33, %swap3A_34] : memref<1x1x576xi32, #tpu.memory_space<vmem>>, vector<1x1x576xi32>
    %swap3A_36 = vector.shape_cast %swap3A_35 : vector<1x1x576xi32> to vector<576xi32>
    %swap3A_37 = vector.shape_cast %reduce_min3A_32 : vector<576xi32> to vector<1x1x576xi32>
    tpu.vector_store %arg4[%swap3A, %swap3A_33, %swap3A_34], %swap3A_37 {strides = array<i32>} : memref<1x1x576xi32, #tpu.memory_space<vmem>>, vector<1x1x576xi32>,
    %eq3A_38 = arith.constant 0 : i32
    %eq3A_39 = arith.cmpi eq, %arg0, %eq3A_38 : i32
    %convert_element_type3A = arith.extui %eq3A_39 : i1 to i32
    %cond3A = arith.constant 0 : i32
    %cond3A_40 = arith.cmpi ne, %convert_element_type3A, %cond3A : i32
    scf.if %cond3A_40 {
      %broadcast_in_dim3A_54 = arith.constant 0.000000e+00 : f32
      %broadcast_in_dim3A_55 = vector.broadcast %broadcast_in_dim3A_54 : f32 to vector<1x1xf32>
      %swap3A_56 = arith.constant 0 : index
      %swap3A_57 = arith.constant 0 : index
      %swap3A_58 = vector.load %arg5[%swap3A_56, %swap3A_57] : memref<1x1xf32, #tpu.memory_space<vmem>>, vector<1x1xf32>
      tpu.vector_store %arg5[%swap3A_56, %swap3A_57], %broadcast_in_dim3A_55 {strides = array<i32>} : memref<1x1xf32, #tpu.memory_space<vmem>>, vector<1x1xf32>,
    } else {
    }
    %get3A_41 = arith.constant 0 : index
    %get3A_42 = arith.constant 0 : index
    %get3A_43 = vector.load %arg5[%get3A_41, %get3A_42] : memref<1x1xf32, #tpu.memory_space<vmem>>, vector<1x1xf32>
    %broadcast_in_dim3A_44 = vector.broadcast %reduce_sum3A_28 : f32 to vector<1x1xf32>
    %add3A_45 = arith.addf %get3A_43, %broadcast_in_dim3A_44 : vector<1x1xf32>
    %swap3A_46 = arith.constant 0 : index
    %swap3A_47 = arith.constant 0 : index
    %swap3A_48 = vector.load %arg5[%swap3A_46, %swap3A_47] : memref<1x1xf32, #tpu.memory_space<vmem>>, vector<1x1xf32>
    tpu.vector_store %arg5[%swap3A_46, %swap3A_47], %add3A_45 {strides = array<i32>} : memref<1x1xf32, #tpu.memory_space<vmem>>, vector<1x1xf32>,
    %eq3A_49 = arith.constant 7 : i32
    %eq3A_50 = arith.cmpi eq, %arg0, %eq3A_49 : i32
    %convert_element_type3A_51 = arith.extui %eq3A_50 : i1 to i32
    %cond3A_52 = arith.constant 0 : i32
    %cond3A_53 = arith.cmpi ne, %convert_element_type3A_51, %cond3A_52 : i32
    scf.if %cond3A_53 {
      %get3A_54 = arith.constant 0 : index
      %get3A_55 = arith.constant 0 : index
      %get3A_56 = vector.load %arg5[%get3A_54, %get3A_55] : memref<1x1xf32, #tpu.memory_space<vmem>>, vector<1x1xf32>
      %mul3A_57 = arith.constant 1.08506946E-7 : f32
      %mul3A_58 = vector.broadcast %mul3A_57 : f32 to vector<1x1xf32>
      %mul3A_59 = arith.mulf %get3A_56, %mul3A_58 : vector<1x1xf32>
      %swap3A_60 = arith.constant 0 : index
      %swap3A_61 = arith.constant 0 : index
      %swap3A_62 = vector.load %arg5[%swap3A_60, %swap3A_61] : memref<1x1xf32, #tpu.memory_space<vmem>>, vector<1x1xf32>
      tpu.vector_store %arg5[%swap3A_60, %swap3A_61], %mul3A_59 {strides = array<i32>} : memref<1x1xf32, #tpu.memory_space<vmem>>, vector<1x1xf32>,
    } else {
    }
    return
  }
  func.func @transform_0(%arg0: i32) -> (i32, i32, i32) {
    %c0_i32 = arith.constant 0 : i32
    %c0_i32_0 = arith.constant 0 : i32
    %c0_i32_1 = arith.constant 0 : i32
    return %arg0, %c0_i32, %c0_i32_0 : i32, i32, i32
  }
  func.func @transform_1(%arg0: i32) -> (i32, i32) {
    %c0_i32 = arith.constant 0 : i32
    %c0_i32_0 = arith.constant 0 : i32
    %c0_i32_1 = arith.constant 0 : i32
    return %c0_i32, %c0_i32_0 : i32, i32
  }
  func.func @transform_2(%arg0: i32) -> (i32, i32) {
    %c0_i32 = arith.constant 0 : i32
    %c0_i32_0 = arith.constant 0 : i32
    %c0_i32_1 = arith.constant 0 : i32
    return %c0_i32, %c0_i32_0 : i32, i32
  }
  func.func @transform_3(%arg0: i32) -> (i32, i32, i32) {
    %c0_i32 = arith.constant 0 : i32
    %c0_i32_0 = arith.constant 0 : i32
    %c0_i32_1 = arith.constant 0 : i32
    return %arg0, %c0_i32, %c0_i32_0 : i32, i32, i32
  }
  func.func @transform_4(%arg0: i32) -> (i32, i32) {
    %c0_i32 = arith.constant 0 : i32
    %c0_i32_0 = arith.constant 0 : i32
    %c0_i32_1 = arith.constant 0 : i32
    return %c0_i32, %c0_i32_0 : i32, i32
  }
}

</mosaic_0001>

<sc_bundles>
// kernel: kernel.4.cloned.1.call-start
scs
__scs_entry_jumppad:
0x0: {  	(pc) =	sbr.rel $0x88, $3  }
0x1: {  	(tag) =	ssettag $0x0;
	lr =	simm.s32 $0x1  }
0x2: {  	[smem:$0x3F9D] =	sst lr;
	_ =	strace $0xD0000000  }
0x3: {  	_ = 	snop  }
0x4: {  	_ = 	snop  }
0x5: {  	_ = 	snop  }
0x6: {  	_ = 	snop  }
0x7: {  	_ = 	snop  }
__scs_overlays_trampoline_lowered:
0x8: {  	[smem:$0x3FAC] =	sst s0  }
0x9: {  	[smem:$0x3FAD] =	sst s1  }
0xa: {  	[smem:$0x3FAE] =	sst s2  }
0xb: {  	[smem:$0x3FAF] =	sst s3  }
0xc: {  	[smem:$0x3FB0] =	sst s4  }
0xd: {  	[smem:$0x3FB1] =	sst s5  }
0xe: {  	[smem:$0x3FB2] =	sst s6  }
0xf: {  	[smem:$0x3FB3] =	sst s7  }
0x10: {  	[smem:$0x3FB4] =	sst s8  }
0x11: {  	[smem:$0x3FB5] =	sst s9;
	s0 =	simm.s32 @!p0 $0x0  }
0x12: {  	s1 =	sld [smem:$0x3F9B];
	s0 =	simm.s32 @p0 $0x1  }
0x13: {  	[smem:$0x3FB6] =	sst s0;
	s0 =	simm.s32 @!p1 $0x0  }
0x14: {  	s2 =	sld [smem:$0x3F9A];
	s0 =	simm.s32 @p1 $0x1  }
0x15: {  	[smem:$0x3FB7] =	sst s0;
	s0 =	simm.s32 @!p2 $0x0  }
0x16: {  	s3 =	sld [smem:$0x3FDB];
	s0 =	simm.s32 @p2 $0x1  }
0x17: {  	s4 =	simm.s32 $0x1BF5;
	[smem:$0x3FB9] =	sst s0  }
0x18: {  	s0 =	sld [smem:$0x3F9C];
	_ =	swait.ge [sflag:s4], $0x0  }
0x19: {  	s7 =	sld [smem:$0x3F9D]  }
0x1a: {  	s8 =	sadd.s32 $0xFFFFE003, lr  }
0x1b: {  	s9 =	sadd.s32 $0xFFFFFEF7, lr;
	s5 =	simm.s32 $0xFFFFFFFF;
	p2 =	slt.u32 s8, $0xFFFFF086  }
0x1c: {  	p1 =	slt.u32 s9, $0xF7A;
	s5 =	simm.s32 @!p2 $0x0  }
0x1d: {  	s5 =	simm.s32 @p1 $0x1;
	p0 =	seq.s32 s7, s2  }
0x1e: {  	s7 =	smul.u32 @!p0 $0xF7A, s2;
	p2 =	seq.s32 @!p0 s5, $0x0  }
0x1f: {  	s9 =	smul.u32 $0xF7A, s1;
	s8 =	simm.s32 @!p0 $0x1BF5;
	p2 =	por !p2, p0  }
0x20: {  	[sflag:s8] =	ssyncset.s32 @!p0 $0xFFFFF086;
	s6 =	sadd.s32 @!p0 s3, s7;
	s7 =	simm.s32 @!p0 $0x108  }
0x21: {  	s3 =	sadd.s32 s3, s9;
	s6 =	sadd.s32 @!p0 $0x88, s6;
	s7 =	simm.s32 @p2 $0x1082  }
0x22: {  	[simem:s7], [sflag:s8] =	dma.local @!p0 [hbm:s6], $0xF7A  }
0x23: {  	s9 =	sor.u32 $0xD0000000, s2;
	s6 =	simm.s32 $0x108;
	_ =	swait.ge @!p0 [sflag:s8], $0x0  }
0x24: {  	s3 =	sadd.s32 $0x88, s3;
	s6 =	simm.s32 @!p1 $0x1082;
	[sflag:s4] =	ssyncset.s32 $0xFFFFF086  }
0x25: {  	[simem:s6], [sflag:s4] =	dma.local [hbm:s3], $0xF7A  }
0x26: {  	[smem:$0x3F9D] =	sst s1;
	(tag) =	ssettag s2;
	_ =	strace s9  }
0x27: {  	s1 =	sld [smem:$0x3FAD]  }
0x28: {  	s2 =	sld [smem:$0x3FAE]  }
0x29: {  	s4 =	sld [smem:$0x3FB0]  }
0x2a: {  	p0 =	seq.s32 s5, $0x0;
	s5 =	sld [smem:$0x3FB1]  }
0x2b: {  	s6 =	sld [smem:$0x3FB2]  }
0x2c: {  	s7 =	sld [smem:$0x3FB3]  }
0x2d: {  	s3 =	simm.s32 $0x108;
	s8 =	sld [smem:$0x3FB4]  }
0x2e: {  	s3 =	simm.s32 @!p0 $0x1082;
	s9 =	sld [smem:$0x3FB5]  }
0x2f: {  	lr =	sadd.s32 s0, s3;
	s0 =	sld [smem:$0x3FAC]  }
0x30: {  	s3 =	sld [smem:$0x3FAF]  }
0x31: {  	[smem:$0x3FB8] =	sst s10  }
0x32: {  	s10 =	sld [smem:$0x3FB6];
	_ =	sdelay $0x3  }
0x33: {  	p0 =	seq.s32 s10, $0x1;
	s10 =	sld [smem:$0x3FB8];
	_ =	sdelay $0x3  }
0x34: {  	[smem:$0x3FB8] =	sst s10  }
0x35: {  	s10 =	sld [smem:$0x3FB7];
	_ =	sdelay $0x3  }
0x36: {  	p1 =	seq.s32 s10, $0x1;
	s10 =	sld [smem:$0x3FB8];
	_ =	sdelay $0x3  }
0x37: {  	[smem:$0x3FB8] =	sst s10  }
0x38: {  	s10 =	sld [smem:$0x3FB9]  }
0x39: {  	_ = 	snop;
	(pc) =	sbr.ind lr, $3  }
0x3a: {  	_ = 	snop  }
0x3b: {  	_ = 	snop  }
0x3c: {  	p2 =	seq.s32 s10, $0x1;
	s10 =	sld [smem:$0x3FB8]  }
0x3d: {  	_ =	shalt  }
0x3e: {  	_ =	shalt  }
0x3f: {  	_ =	shalt  }
0x40: {  	_ =	shalt  }
0x41: {  	_ =	shalt  }
0x42: {  	_ =	shalt  }
0x43: {  	_ =	shalt  }
0x44: {  	_ =	shalt  }
0x45: {  	_ =	shalt  }
0x46: {  	_ =	shalt  }
0x47: {  	_ =	shalt  }
0x48: {  	_ =	shalt  }
0x49: {  	_ =	shalt  }
0x4a: {  	_ =	shalt  }
0x4b: {  	_ =	shalt  }
0x4c: {  	_ =	shalt  }
0x4d: {  	_ =	shalt  }
0x4e: {  	_ =	shalt  }
0x4f: {  	_ =	shalt  }
0x50: {  	_ =	shalt  }
0x51: {  	_ =	shalt  }
0x52: {  	_ =	shalt  }
0x53: {  	_ =	shalt  }
0x54: {  	_ =	shalt  }
0x55: {  	_ =	shalt  }
0x56: {  	_ =	shalt  }
0x57: {  	_ =	shalt  }
0x58: {  	_ =	shalt  }
0x59: {  	_ =	shalt  }
0x5a: {  	_ =	shalt  }
0x5b: {  	_ =	shalt  }
0x5c: {  	_ =	shalt  }
0x5d: {  	_ =	shalt  }
0x5e: {  	_ =	shalt  }
0x5f: {  	_ =	shalt  }
0x60: {  	_ =	shalt  }
0x61: {  	_ =	shalt  }
0x62: {  	_ =	shalt  }
0x63: {  	_ =	shalt  }
0x64: {  	_ =	shalt  }
0x65: {  	_ =	shalt  }
0x66: {  	_ =	shalt  }
0x67: {  	_ =	shalt  }
0x68: {  	_ =	shalt  }
0x69: {  	_ =	shalt  }
0x6a: {  	_ =	shalt  }
0x6b: {  	_ =	shalt  }
0x6c: {  	_ =	shalt  }
0x6d: {  	_ =	shalt  }
0x6e: {  	_ =	shalt  }
0x6f: {  	_ =	shalt  }
0x70: {  	_ =	shalt  }
0x71: {  	_ =	shalt  }
0x72: {  	_ =	shalt  }
0x73: {  	_ =	shalt  }
0x74: {  	_ =	shalt  }
0x75: {  	_ =	shalt  }
0x76: {  	_ =	shalt  }
0x77: {  	_ =	shalt  }
0x78: {  	_ =	shalt  }
0x79: {  	_ =	shalt  }
0x7a: {  	_ =	shalt  }
0x7b: {  	_ =	shalt  }
0x7c: {  	_ =	shalt  }
0x7d: {  	_ =	shalt  }
0x7e: {  	_ =	shalt  }
0x7f: {  	_ =	shalt  }
0x80: {  	_ =	shalt  }
0x81: {  	_ =	shalt  }
0x82: {  	_ =	shalt  }
0x83: {  	_ =	shalt  }
0x84: {  	_ =	shalt  }
0x85: {  	_ =	shalt  }
0x86: {  	_ =	shalt  }
0x87: {  	_ =	shalt  }
.Lfunc_end0:
.L_simem_size_0:
called_computation_lowered:
.L_overlay_start_0:
0x88: {  	s2 =	sld [smem:$0x3FD9]  }
0x89: {  	s3 =	sld [smem:$0x3FFE];
	_ =	sdelay $0x1  }
0x8a: {  	s1 =	srdreg.scid  }
0x8b: {  	s0 =	sand.u32 $0x1, s1  }
0x8c: {  	s14 =	sshll.u32 s0, $0xA;
	s2 =	sadd.s32 s3, s2  }
0x8d: {  	s2 =	sadd.s32 s2, s14  }
0x8e: {  	[smem:$0x3FC4] =	sst s2  }
0x8f: {  	_ = 	snop  }
0x90: {  	s2 =	sld [smem:$0x3FD0];
	_ =	sdelay $0x2  }
0x91: {  	s15 =	simm.s32 $0xA;
	s4 =	simm.s32 $0x10  }
0x92: {  	[smem:s4], [sflag:s15] =	dma.local [hbm:s2], $0x1  }
0x93: {  	_ =	swait.eq [sflag:s15], $0x1  }
0x94: {  	[sflag:s15] =	ssyncset.done $0x0  }
0x95: {  	[sflag:s15] =	ssyncadd.s32 $0xFFFFFFFF  }
0x96: {  	s16 =	sld [smem:$0x10];
	(tm) =	ssettm $0x1  }
0x97: {  	s17 =	sld [smem:$0x3FFB];
	_ =	sdelay $0x3  }
0x98: {  	_ =	strace s17  }
0x99: {  	s3 =	sld [smem:$0x3FFC];
	_ =	sdelay $0x3  }
0x9a: {  	_ =	strace s3  }
0x9b: {  	s3 =	sld [smem:$0x3FFD];
	_ =	sdelay $0x3  }
0x9c: {  	_ =	strace s3  }
0x9d: {  	_ =	strace $0x8FFFFFFF  }
0x9e: {  	s18 =	sld [smem:$0x3FDB];
	_ =	sdelay $0x1  }
0x9f: {  	s19 =	simm.s32 $_scs_section_size  }
0xa0: {  	s5 =	simm.s32 $_size__tile_overlayer_lowered;
	s6 =	simm.s32 $_tile_overlayer_lowered  }
0xa1: {  	s22 =	simm.s32 $0x1BFF;
	s21 =	sshll.u32 s6, $0x1;
	s3 =	sadd.s32 s19, s18  }
0xa2: {  	s7 =	simm.s32 $0x0;
	s20 =	sshll.u32 s5, $0x1;
	s5 =	sadd.s32 s21, s3  }
0xa3: {  	[timem:s7], [sflag:s22] =	dma.local [hbm:s5], s20  }
0xa4: {  	_ =	swait.ge [sflag:s22], s20  }
0xa5: {  	s4 =	ssub.s32 $0x0, s20;
	[sflag:s22] =	ssyncset.done $0x0  }
0xa6: {  	[sflag:s22] =	ssyncadd.s32 s4;
	_ =	sdelay $0x1  }
0xa7: {  	s23 =	simm.s32 $0x1B8B  }
0xa8: {  	_ =	swait.ge [sflag:s23], $0x1  }
0xa9: {  	[sflag:s23] =	ssyncset.done $0x0  }
0xaa: {  	s25 =	simm.s32 $0x1B8E;
	s24 =	sld [smem:$0x3FFE];
	[sflag:s23] =	ssyncadd.s32 $0xFFFFFFFF  }
0xab: {  	s26 =	simm.s32 $execute0_lowered;
	[smem:$0x3FD2] =	sst s25  }
0xac: {  	s5 =	sshll.u32 s26, $0x1;
	_ =	strace $0x80000046;
	[dreg:$0x1] =	wrdreg $0xFFFFFFFF  }
0xad: {  	s28 =	simm.s32 $_size_execute0_lowered;
	s3 =	sadd.s32 s3, s5;
	[dreg:$0x0] =	wrdreg $0x0  }
0xae: {  	s5 =	sshll.u32 s28, $0x1;
	[dreg:$0x2] =	wrdreg s3  }
0xaf: {  	[dreg:$0x3] =	wrdreg s5  }
0xb0: {  	[dreg:$0x4] =	wrdreg $0xC0  }
0xb1: {  	_ =	task [dreg:s7], $0x5FFFF  }
0xb2: {  	[dreg:$0x1] =	wrdreg $0xFFFFFFFF  }
0xb3: {  	[dreg:$0x0] =	wrdreg $0x60  }
0xb4: {  	[dreg:$0x2] =	wrdreg s16  }
0xb5: {  	[dreg:$0x3] =	wrdreg s24  }
0xb6: {  	[dreg:$0x4] =	wrdreg $0x9  }
0xb7: {  	_ =	task.clear_ibuf [dreg:s7], $0x5FFFF;
	_ =	strace $0x90000046  }
0xb8: {  	s29 =	simm.s32 $0x9;
	_ =	strace $0x80000048  }
0xb9: {  	_ =	swait.ge [sflag:s29], $0x1  }
0xba: {  	[sflag:s29] =	ssyncadd.s32 $0xFFFFFFFF  }
0xbb: {  	_ =	strace $0x90000048  }
0xbc: {  	_ =	sfence  }
0xbd: {  	s30 =	sld [smem:$0x0];
	_ =	sdelay $0x2  }
0xbe: {  	s31 =	sshll.u32 s1, $0xD;
	s1 =	sshrl.u32 s1, $0x2  }
0xbf: {  	s3 =	sand.u32 $0x4000, s31;
	s1 =	sadd.s32 s1, s30  }
0xc0: {  	s0 =	sor.u32 s3, s0;
	s1 =	sshll.u32 s1, $0x11  }
0xc1: {  	s0 =	sor.u32 s1, s0  }
0xc2: {  	s0 =	sadd.s32 $0x8F2B, s0  }
0xc3: {  	[sflag:s0] =	ssyncadd.remote.s32 $0x1  }
0xc4: {  	_ =	sfence.sel $0xFFFF  }
0xc5: {  	[dreg:$0x0] =	wrdreg $0xFFFFFFFF;
	(pc) =	sbr.abs _section_cstart, $3  }
0xc6: {  	[dreg:$0x1] =	wrdreg $0xFFFFFFFF  }
0xc7: {  	_ =	task.clear_ibuf [dreg:s7], $0x2FFFF;
	_ =	strace $0x9FFFFFFF  }
0xc8: {  	(tm) =	ssettm $0x7FFFFFFF  }
0xc9: {  	_ =	shalt  }
tec
execute0_lowered:
.L_overlay_start_1:
0x0: {  	(tag) =	ssettag $0x1  }
0x1: {  	s4 =	rddreg [dreg:$0x0]  }
0x2: {  	s5 =	rddreg [dreg:$0x1]  }
0x3: {  	s3 =	srdreg.scid;
	s0 =	stileid.u32;
	s2 =	simm.s32 $0x0  }
0x4: {  	s12 =	simm.s32 $0x2;
	s3 =	sand.u32 $0x1, s3;
	s6 =	sshll.u32 s0, $0x1  }
0x5: {  	s13 =	simm.s32 $0x0;
	[smem:$0x7FF] =	sst s2;
	s6 =	sor.u32 s3, s6  }
0x6: {  	_ =	strace $0x80000047;
	s8 =	ssub.s32 $0x2, s3;
	s7 =	smul.u32 $0x280, s6  }
0x7: {  	s3 =	sadd.s32 $0xC00, s5;
	s9 =	sshrl.u32 s8, $0x1;
	s6 =	sshll.u32 s6, $0xA  }
0x8: {  	s31 =	ssub.s32 s8, s9;
	s4 =	sadd.s32 s4, s6;
	s5 =	sadd.s32 s7, s5  }
0x9: {  	s8 =	simm.s32 $0x1;
	s6 =	smax.u32 s31, $0x1;
	s5 =	sadd.s32 $0x1000, s5  }
.LBB2_1:
0xa: {  	[tilespmem:s2], [sflag:$0x1] =	stream.linear.gather [hbm4b:s4+s2], $0x2000, $0x38;
	[tilespmem:$0xD400] =	vst v63  }
0xb: {  	s14 =	smulhi.u32 $0x38E38E39, s2;
	s15 =	simm.s32 $0x0  }
0xc: {  	s0 =	simm.s32 $0x2000;
	s25 =	simm.s32 $0x4;
	s15 =	smul.u32 $0xE38F, s15  }
0xd: {  	[tilespmem:s0], [sflag:$0x1] =	stream.linear.gather [hbm4b:s3+s2], $0x1400, $0x38;
	[tilespmem:$0xD400] =	vst v63  }
0xe: {  	s26 =	smulhi.u32 $0x38E38E39, s25;
	s14 =	sshrl.u32 s14, $0x3  }
0xf: {  	s16 =	smul.u32 $0x240, s14  }
0x10: {  	_ =	swait.ge [sflag:s8], $0x2000;
	s15 =	sshrl.u32 s15, $0x15;
	s14 =	smul.u32 $0x1200, s14  }
0x11: {  	[sflag:s8] =	ssyncset.done $0x0;
	s17 =	smul.u32 $0xA00, s15  }
0x12: {  	s15 =	smul.u32 $0x5000, s15;
	[sflag:s8] =	ssyncadd.s32 $0xFFFFE000  }
0x13: {  	s16 =	ssub.s32 $0x0, s16;
	s14 =	ssub.s32 $0x0, s14;
	_ =	swait.ge [sflag:s8], $0x1400  }
0x14: {  	s17 =	sshrl.u32 s17, $0x2;
	s18 =	sadd.s32 $0x30, s16;
	s19 =	sadd.s32 $0x10, s16  }
0x15: {  	s21 =	sadd.s32 $0x20, s16;
	s23 =	sand.u32 $0xFFFFFF80, s16;
	s16 =	sand.u32 $0x40, s16  }
0x16: {  	s15 =	sshrl.u32 s15, $0x2;
	s9 =	sadd.s32 $0x180, s14;
	s10 =	sadd.s32 $0x80, s14  }
0x17: {  	s11 =	sand.u32 $0xFFFFFC00, s14;
	[sflag:s8] =	ssyncset.done $0x0;
	s17 =	sadd.s32 $0x2000, s17  }
0x18: {  	s20 =	sand.u32 $0xFFFFFF80, s18;
	s18 =	sand.u32 $0x70, s18;
	s22 =	sand.u32 $0xFFFFFF80, s19  }
0x19: {  	s24 =	sand.u32 $0xFFFFFF80, s21;
	s21 =	sand.u32 $0x60, s21;
	s20 =	sadd.s32 s20, s17  }
0x1a: {  	[sflag:s8] =	ssyncadd.s32 $0xFFFFEC00;
	s23 =	sadd.s32 s23, s17;
	s20 =	sor.u32 s18, s20  }
0x1b: {  	s1 =	sadd.s32 s22, s17;
	s17 =	sadd.s32 s24, s17;
	s7 =	sor.u32 s16, s23;
	v2 =	vld [tilespmem:s20+$0x0]  }
0x1c: {  	s14 =	sadd.s32 $0x100, s14;
	s19 =	sand.u32 $0x50, s19;
	s17 =	sor.u32 s21, s17;
	v1 =	vld [tilespmem:s7+$0x0]  }
0x1d: {  	s15 =	sadd.s32 $0x3400, s15;
	s20 =	sor.u32 s19, s1;
	v6 =	vld [tilespmem:s17+$0x0];
	s17 =	sand.u32 $0xFFFFFC00, s9  }
0x1e: {  	s23 =	sand.u32 $0xFFFFFC00, s14;
	v3 =	vld [tilespmem:s20+$0x0];
	s17 =	sadd.s32 s17, s15;
	s20 =	sand.u32 $0xFFFFFC00, s10  }
0x1f: {  	s17 =	sor.u32 s18, s17;
	s24 =	sadd.s32 s20, s15;
	s18 =	simm.s32 $0x4  }
0x20: {  	s14 =	sor.u32 s19, s24;
	s28 =	smul.u32 $0xE38F, s18;
	s19 =	sshrl.u32 s26, $0x3  }
0x21: {  	s29 =	smul.u32 $0x240, s19  }
0x22: {  	s22 =	sadd.s32 s11, s15;
	s15 =	sadd.s32 s23, s15;
	s20 =	sshrl.u32 s28, $0x15  }
0x23: {  	s15 =	sor.u32 s21, s15;
	s30 =	smul.u32 $0xA00, s20;
	s21 =	ssub.s32 $0x40, s29;
	v0 =	vld.idx.msk [tilespmem:v2+s2+$0x0], $0xffff  }
0x24: {  	s16 =	sor.u32 s16, s22;
	v4 =	vadd.s32 $0x400, v2;
	s31 =	sadd.s32 $0x30, s21;
	s0 =	sadd.s32 $0x10, s21  }
0x25: {  	s26 =	sadd.s32 $0x20, s21;
	s29 =	sand.u32 $0xFFFFFF80, s21;
	v5 =	vld.idx.msk [tilespmem:v1+s2+$0x0], $0xffff;
	s22 =	sshrl.u32 s30, $0x2  }
0x26: {  	v7 =	vadd.s32 $0x400, v1;
	v10 =	vld.idx.msk [tilespmem:v6+s2+$0x0], $0xffff;
	s25 =	sand.u32 $0xFFFFFF80, s31;
	s28 =	sand.u32 $0xFFFFFF80, s0;
	s22 =	sadd.s32 $0x2000, s22  }
0x27: {  	v11 =	vadd.s32 $0x400, v6;
	s30 =	sand.u32 $0xFFFFFF80, s26;
	s26 =	sand.u32 $0x60, s26;
	v8 =	vld.idx.msk [tilespmem:v3+s2+$0x0], $0xffff;
	s25 =	sadd.s32 s25, s22  }
0x28: {  	v9 =	vadd.s32 $0x400, v3;
	s29 =	sadd.s32 s29, s22;
	s1 =	sadd.s32 s28, s22;
	s22 =	sadd.s32 s30, s22;
	[tilespmem:s17+$0x0] =	vst v0  }
0x29: {  	s22 =	sor.u32 s26, s22;
	v0 =	vld.idx.msk [tilespmem:v4+s2+$0x0], $0xffff  }
0x2a: {  	v28 =	vld [tilespmem:s22+$0x0];
	[tilespmem:s16+$0x0] =	vst v5;
	v4 =	vadd.s32 $0x800, v2  }
0x2b: {  	[tilespmem:s15+$0x0] =	vst v10;
	v5 =	vld.idx.msk [tilespmem:v7+s2+$0x0], $0xffff  }
0x2c: {  	[tilespmem:s14+$0x0] =	vst v8;
	v7 =	vadd.s32 $0x800, v1;
	v10 =	vld.idx.msk [tilespmem:v11+s2+$0x0], $0xffff  }
0x2d: {  	v11 =	vadd.s32 $0x800, v6;
	v8 =	vld.idx.msk [tilespmem:v9+s2+$0x0], $0xffff  }
0x2e: {  	s21 =	sand.u32 $0x40, s21;
	v9 =	vadd.s32 $0x800, v3;
	[tilespmem:s17+$0x80] =	vst v0  }
0x2f: {  	s7 =	sor.u32 s21, s29;
	v0 =	vld.idx.msk [tilespmem:v4+s2+$0x0], $0xffff  }
0x30: {  	v13 =	vld [tilespmem:s7+$0x0];
	[tilespmem:s16+$0x80] =	vst v5;
	v4 =	vadd.s32 $0xC00, v2  }
0x31: {  	[tilespmem:s15+$0x80] =	vst v10;
	v5 =	vld.idx.msk [tilespmem:v7+s2+$0x0], $0xffff  }
0x32: {  	s19 =	smul.u32 $0x1200, s19;
	[tilespmem:s14+$0x80] =	vst v8;
	v7 =	vadd.s32 $0xC00, v1;
	v10 =	vld.idx.msk [tilespmem:v11+s2+$0x0], $0xffff  }
0x33: {  	v8 =	vld.idx.msk [tilespmem:v9+s2+$0x0], $0xffff  }
0x34: {  	s20 =	smul.u32 $0x5000, s20;
	s19 =	ssub.s32 $0x200, s19;
	s23 =	sand.u32 $0x70, s31;
	v18 =	vld.idx.msk [tilespmem:v28+s2+$0x0], $0xffff;
	v9 =	vadd.s32 $0xC00, v3;
	[tilespmem:s17+$0x100] =	vst v0  }
0x35: {  	s9 =	sadd.s32 $0x180, s19;
	s25 =	sor.u32 s23, s25;
	v11 =	vadd.s32 $0xC00, v6;
	v4 =	vld.idx.msk [tilespmem:v4+s2+$0x0], $0xffff  }
0x36: {  	s10 =	sadd.s32 $0x80, s19;
	s24 =	sand.u32 $0x50, s0;
	s20 =	sshrl.u32 s20, $0x2;
	[tilespmem:s16+$0x100] =	vst v5;
	v5 =	vadd.s32 $0x1000, v2;
	v0 =	vld [tilespmem:s25+$0x0]  }
0x37: {  	s20 =	sadd.s32 $0x3400, s20;
	s22 =	sand.u32 $0xFFFFFC00, s9;
	s25 =	sor.u32 s24, s1;
	v7 =	vld.idx.msk [tilespmem:v7+s2+$0x0], $0xffff  }
0x38: {  	s11 =	sand.u32 $0xFFFFFC00, s19;
	s19 =	sadd.s32 $0x100, s19;
	s22 =	sadd.s32 s22, s20;
	v21 =	vadd.s32 $0x400, v28;
	[tilespmem:s14+$0x100] =	vst v8;
	v17 =	vld [tilespmem:s25+$0x0]  }
0x39: {  	s30 =	sand.u32 $0xFFFFFC00, s19;
	[tilespmem:s15+$0x100] =	vst v10;
	v10 =	vadd.s32 $0x1000, v1;
	s25 =	sor.u32 s23, s22;
	s23 =	sand.u32 $0xFFFFFC00, s10;
	v8 =	vld.idx.msk [tilespmem:v9+s2+$0x0], $0xffff  }
0x3a: {  	s29 =	sadd.s32 s11, s20;
	v9 =	vld.idx.msk [tilespmem:v11+s2+$0x0], $0xffff;
	s31 =	sadd.s32 s23, s20;
	s20 =	sadd.s32 s30, s20;
	[tilespmem:s17+$0x180] =	vst v4  }
0x3b: {  	v12 =	vadd.s32 $0x1000, v6;
	s20 =	sor.u32 s26, s20;
	v5 =	vld.idx.msk [tilespmem:v5+s2+$0x0], $0xffff  }
0x3c: {  	v11 =	vadd.s32 $0x1400, v2;
	[tilespmem:s20+$0x0] =	vst v18  }
0x3d: {  	v26 =	vld.idx.msk [tilespmem:v21+s2+$0x0], $0xffff;
	[tilespmem:s16+$0x180] =	vst v7  }
0x3e: {  	[tilespmem:s14+$0x180] =	vst v8;
	v7 =	vld.idx.msk [tilespmem:v10+s2+$0x0], $0xffff  }
0x3f: {  	v4 =	vadd.s32 $0x1000, v3;
	[tilespmem:s15+$0x180] =	vst v9;
	v9 =	vld.idx.msk [tilespmem:v0+s2+$0x0], $0xffff  }
0x40: {  	v8 =	vadd.s32 $0x1400, v1;
	v10 =	vld.idx.msk [tilespmem:v12+s2+$0x0], $0xffff;
	[tilespmem:s17+$0x200] =	vst v5  }
0x41: {  	v14 =	vadd.s32 $0x400, v0;
	v5 =	vld.idx.msk [tilespmem:v11+s2+$0x0], $0xffff  }
0x42: {  	v16 =	vld.idx.msk [tilespmem:v17+s2+$0x0], $0xffff;
	v11 =	vadd.s32 $0x1800, v2  }
0x43: {  	v19 =	vadd.s32 $0x400, v17;
	v12 =	vld.idx.msk [tilespmem:v13+s2+$0x0], $0xffff;
	[tilespmem:s16+$0x200] =	vst v7  }
0x44: {  	v4 =	vld.idx.msk [tilespmem:v4+s2+$0x0], $0xffff;
	v7 =	vadd.s32 $0x400, v13;
	[tilespmem:s25+$0x0] =	vst v9  }
0x45: {  	v15 =	vadd.s32 $0x1400, v3;
	v8 =	vld.idx.msk [tilespmem:v8+s2+$0x0], $0xffff;
	[tilespmem:s15+$0x200] =	vst v10  }
0x46: {  	v22 =	vadd.s32 $0x1400, v6;
	s19 =	sor.u32 s24, s31;
	v23 =	vld.idx.msk [tilespmem:v14+s2+$0x0], $0xffff;
	[tilespmem:s17+$0x280] =	vst v5  }
0x47: {  	v29 =	vadd.s32 $0x1800, v1;
	v25 =	vadd.s32 $0x1C00, v2;
	s21 =	sor.u32 s21, s29;
	v32 =	vadd.s32 $0x800, v13;
	[tilespmem:s19+$0x0] =	vst v16;
	v9 =	vld.idx.msk [tilespmem:v11+s2+$0x0], $0xffff  }
0x48: {  	v18 =	vadd.s32 $0x1C00, v13;
	v27 =	vadd.s32 $0x800, v0;
	v21 =	vadd.s32 $0x800, v28;
	[tilespmem:s21+$0x0] =	vst v12;
	v33 =	vld.idx.msk [tilespmem:v19+s2+$0x0], $0xffff  }
0x49: {  	v20 =	vadd.s32 $0x800, v17;
	v1 =	vadd.s32 $0x1C00, v1;
	v2 =	vadd.s32 $0x1C00, v6;
	[tilespmem:s14+$0x200] =	vst v4;
	v31 =	vld.idx.msk [tilespmem:v7+s2+$0x0], $0xffff  }
0x4a: {  	v12 =	vadd.s32 $0x1000, v17;
	v10 =	vadd.s32 $0x1000, v28;
	v14 =	vadd.s32 $0xC00, v13;
	v30 =	vld.idx.msk [tilespmem:v15+s2+$0x0], $0xffff;
	[tilespmem:s16+$0x280] =	vst v8  }
0x4b: {  	v16 =	vadd.s32 $0xC00, v28;
	v24 =	vld.idx.msk [tilespmem:v22+s2+$0x0], $0xffff;
	v22 =	vadd.s32 $0x1800, v17;
	v19 =	vadd.s32 $0x1800, v28;
	[tilespmem:s25+$0x80] =	vst v23  }
0x4c: {  	v4 =	vadd.s32 $0x1800, v6;
	v6 =	vadd.s32 $0x1800, v13;
	v15 =	vadd.s32 $0xC00, v17;
	v23 =	vld.idx.msk [tilespmem:v29+s2+$0x0], $0xffff;
	[tilespmem:s17+$0x300] =	vst v9  }
0x4d: {  	v7 =	vadd.s32 $0x1400, v13;
	v5 =	vadd.s32 $0x1800, v3;
	v3 =	vadd.s32 $0x1C00, v3;
	[tilespmem:s19+$0x80] =	vst v33;
	v25 =	vld.idx.msk [tilespmem:v25+s2+$0x0], $0xffff  }
0x4e: {  	v8 =	vadd.s32 $0x1400, v28;
	v11 =	vadd.s32 $0x1000, v13;
	v13 =	vadd.s32 $0x1C00, v28;
	v27 =	vld.idx.msk [tilespmem:v27+s2+$0x0], $0xffff;
	[tilespmem:s21+$0x80] =	vst v31  }
0x4f: {  	s22 =	simm.s32 $0x40;
	s23 =	simm.s32 $0x200;
	s24 =	simm.s32 $0x8;
	v29 =	vadd.s32 $0xC00, v0;
	[tilespmem:s14+$0x280] =	vst v30;
	v28 =	vld.idx.msk [tilespmem:v32+s2+$0x0], $0xffff;
	v9 =	vadd.s32 $0x1400, v17;
	v17 =	vadd.s32 $0x1C00, v17  }
.LBB2_2:
0x50: {  	s26 =	smulhi.u32 $0x38E38E39, s24;
	s18 =	sadd.s32 $0x4, s18;
	v20 =	vld.idx.msk [tilespmem:v20+s2+$0x0], $0xffff;
	[tilespmem:s20+$0x80] =	vst v26  }
0x51: {  	s28 =	smul.u32 $0xE38F, s18;
	p0 =	slt.u32 s18, $0x11C;
	v21 =	vld.idx.msk [tilespmem:v21+s2+$0x0], $0xffff;
	[tilespmem:s15+$0x280] =	vst v24  }
0x52: {  	s31 =	sshrl.u32 s26, $0x3;
	v24 =	vld.idx.msk [tilespmem:v5+s2+$0x0], $0xffff;
	[tilespmem:s17+$0x380] =	vst v25;
	v5 =	vmov v22;
	s17 =	smov.u32 s25  }
0x53: {  	s25 =	smul.u32 $0x240, s31;
	s30 =	sshrl.u32 s28, $0x15;
	[tilespmem:s17+$0x100] =	vst v27;
	v22 =	vld.idx.msk [tilespmem:v4+s2+$0x0], $0xffff;
	v4 =	vmov v19  }
0x54: {  	s22 =	sadd.s32 $0x40, s22;
	s26 =	smul.u32 $0xA00, s30;
	v19 =	vld.idx.msk [tilespmem:v29+s2+$0x0], $0xffff;
	[tilespmem:s16+$0x300] =	vst v23  }
0x55: {  	s28 =	ssub.s32 s22, s25;
	[tilespmem:s21+$0x100] =	vst v28;
	v23 =	vld.idx.msk [tilespmem:v1+s2+$0x0], $0xffff;
	v1 =	vmov v18  }
0x56: {  	v18 =	vadd.s32 $0x1000, v0;
	s25 =	sshrl.u32 s26, $0x2;
	s29 =	sadd.s32 $0x10, s28;
	s26 =	sadd.s32 $0x30, s28;
	v14 =	vld.idx.msk [tilespmem:v14+s2+$0x0], $0xffff;
	[tilespmem:s19+$0x100] =	vst v20  }
0x57: {  	s1 =	sadd.s32 $0x20, s28;
	s0 =	sadd.s32 $0x2000, s25;
	s7 =	sand.u32 $0xFFFFFF80, s26;
	v15 =	vld.idx.msk [tilespmem:v15+s2+$0x0], $0xffff;
	[tilespmem:s20+$0x100] =	vst v21  }
0x58: {  	s9 =	sand.u32 $0xFFFFFF80, s29;
	s25 =	sand.u32 $0x70, s26;
	s7 =	sadd.s32 s7, s0;
	v16 =	vld.idx.msk [tilespmem:v16+s2+$0x0], $0xffff;
	[tilespmem:s14+$0x300] =	vst v24  }
0x59: {  	s26 =	sand.u32 $0xFFFFFF80, s28;
	s10 =	sand.u32 $0xFFFFFF80, s1;
	s7 =	sor.u32 s25, s7;
	v20 =	vld.idx.msk [tilespmem:v3+s2+$0x0], $0xffff;
	[tilespmem:s15+$0x300] =	vst v22;
	v3 =	vmov v17  }
0x5a: {  	s11 =	sadd.s32 s26, s0;
	s9 =	sadd.s32 s9, s0;
	s0 =	sadd.s32 s10, s0;
	v24 =	vld [tilespmem:s7+$0x0];
	[tilespmem:s17+$0x180] =	vst v19  }
0x5b: {  	s29 =	sand.u32 $0x50, s29;
	s26 =	sand.u32 $0x40, s28;
	s28 =	sand.u32 $0x60, s1;
	v17 =	vld.idx.msk [tilespmem:v18+s2+$0x0], $0xffff;
	[tilespmem:s16+$0x380] =	vst v23  }
0x5c: {  	s1 =	sor.u32 s26, s11;
	s0 =	sor.u32 s28, s0;
	s7 =	sor.u32 s29, s9;
	[tilespmem:s21+$0x180] =	vst v14;
	v18 =	vld.idx.msk [tilespmem:v2+s2+$0x0], $0xffff;
	v2 =	vmov v13  }
0x5d: {  	s16 =	smov.u32 s21;
	v13 =	vld [tilespmem:s1+$0x0];
	[tilespmem:s19+$0x180] =	vst v15;
	v15 =	vadd.s32 $0x1400, v0  }
0x5e: {  	v23 =	vld [tilespmem:s7+$0x0];
	[tilespmem:s20+$0x180] =	vst v16  }
0x5f: {  	v25 =	vld [tilespmem:s0+$0x0];
	[tilespmem:s14+$0x380] =	vst v20;
	s14 =	smov.u32 s19  }
0x60: {  	v19 =	vld.idx.msk [tilespmem:v11+s2+$0x0], $0xffff  }
0x61: {  	v22 =	vld.idx.msk [tilespmem:v12+s2+$0x0], $0xffff;
	[tilespmem:s17+$0x200] =	vst v17  }
0x62: {  	s0 =	smul.u32 $0x1200, s31;
	v26 =	vadd.s32 $0x400, v13;
	v28 =	vadd.s32 $0x800, v13;
	v14 =	vadd.s32 $0xC00, v13;
	v17 =	vld.idx.msk [tilespmem:v15+s2+$0x0], $0xffff;
	[tilespmem:s15+$0x380] =	vst v18;
	s15 =	smov.u32 s20  }
0x63: {  	s23 =	sadd.s32 $0x200, s23;
	s1 =	smul.u32 $0x5000, s30;
	v27 =	vadd.s32 $0x400, v23;
	v20 =	vadd.s32 $0x800, v23;
	v15 =	vadd.s32 $0xC00, v23;
	v29 =	vld.idx.msk [tilespmem:v24+s2+$0x0], $0xffff  }
0x64: {  	v32 =	vadd.s32 $0x1800, v0;
	s0 =	ssub.s32 s23, s0;
	v30 =	vadd.s32 $0x400, v25;
	v21 =	vadd.s32 $0x800, v25;
	v31 =	vld.idx.msk [tilespmem:v10+s2+$0x0], $0xffff  }
0x65: {  	s1 =	sshrl.u32 s1, $0x2;
	v34 =	vadd.s32 $0x400, v24;
	v11 =	vadd.s32 $0x1000, v13;
	s7 =	sadd.s32 $0x80, s0;
	s9 =	sadd.s32 $0x180, s0;
	v16 =	vadd.s32 $0xC00, v25;
	v33 =	vld.idx.msk [tilespmem:v13+s2+$0x0], $0xffff  }
0x66: {  	s1 =	sadd.s32 $0x3400, s1;
	v35 =	vadd.s32 $0x1400, v13;
	s10 =	sadd.s32 $0x100, s0;
	v12 =	vadd.s32 $0x1000, v23;
	s9 =	sand.u32 $0xFFFFFC00, s9;
	v10 =	vadd.s32 $0x1000, v25;
	v36 =	vld.idx.msk [tilespmem:v23+s2+$0x0], $0xffff;
	[tilespmem:s16+$0x200] =	vst v19  }
0x67: {  	v37 =	vadd.s32 $0x1800, v13;
	s7 =	sand.u32 $0xFFFFFC00, s7;
	v38 =	vadd.s32 $0x1400, v23;
	s10 =	sand.u32 $0xFFFFFC00, s10;
	v40 =	vadd.s32 $0x1400, v25;
	s9 =	sadd.s32 s9, s1;
	v39 =	vld.idx.msk [tilespmem:v25+s2+$0x0], $0xffff;
	[tilespmem:s14+$0x200] =	vst v22  }
0x68: {  	s0 =	sand.u32 $0xFFFFFC00, s0;
	v18 =	vadd.s32 $0x1C00, v13;
	s7 =	sadd.s32 s7, s1;
	s25 =	sor.u32 s25, s9;
	v19 =	vadd.s32 $0x1800, v25;
	v22 =	vadd.s32 $0x1800, v23;
	v41 =	vld.idx.msk [tilespmem:v7+s2+$0x0], $0xffff;
	[tilespmem:s17+$0x280] =	vst v17;
	v7 =	vmovc v35  }
0x69: {  	s0 =	sadd.s32 s0, s1;
	s1 =	sadd.s32 s10, s1;
	s19 =	sor.u32 s29, s7;
	v13 =	vadd.s32 $0x1C00, v25;
	v17 =	vadd.s32 $0x1C00, v23;
	[tilespmem:s25+$0x0] =	vst v29;
	v23 =	vld.idx.msk [tilespmem:v32+s2+$0x0], $0xffff  }
0x6a: {  	s21 =	sor.u32 s26, s0;
	s20 =	sor.u32 s28, s1;
	v25 =	vld.idx.msk [tilespmem:v34+s2+$0x0], $0xffff;
	[tilespmem:s15+$0x200] =	vst v31  }
0x6b: {  	v31 =	vadd.s32 $0x1C00, v0;
	v0 =	vmov v24;
	[tilespmem:s21+$0x0] =	vst v33;
	v29 =	vld.idx.msk [tilespmem:v9+s2+$0x0], $0xffff;
	v9 =	vmov v38  }
0x6c: {  	v33 =	vadd.s32 $0x800, v0;
	v32 =	vld.idx.msk [tilespmem:v26+s2+$0x0], $0xffff;
	[tilespmem:s19+$0x0] =	vst v36  }
0x6d: {  	v34 =	vld.idx.msk [tilespmem:v27+s2+$0x0], $0xffff;
	[tilespmem:s20+$0x0] =	vst v39  }
0x6e: {  	v26 =	vld.idx.msk [tilespmem:v30+s2+$0x0], $0xffff;
	[tilespmem:s16+$0x280] =	vst v41  }
.Ltmp0:
0x6f: {  	v24 =	vld.idx.msk [tilespmem:v8+s2+$0x0], $0xffff;
	[tilespmem:s17+$0x300] =	vst v23;
	v8 =	vmov v40;
	(pc) =	sbr.rel @p0 .LBB2_2-.Ltmp0, $4  }
0x70: {  	[tilespmem:s25+$0x80] =	vst v25;
	v25 =	vld.idx.msk [tilespmem:v31+s2+$0x0], $0xffff  }
0x71: {  	v27 =	vld.idx.msk [tilespmem:v33+s2+$0x0], $0xffff;
	[tilespmem:s14+$0x280] =	vst v29  }
0x72: {  	[tilespmem:s21+$0x80] =	vst v32;
	v23 =	vld.idx.msk [tilespmem:v6+s2+$0x0], $0xffff;
	v6 =	vmov v37  }
0x73: {  	s24 =	sadd.s32 $0x4, s24;
	v29 =	vadd.s32 $0xC00, v0;
	v28 =	vld.idx.msk [tilespmem:v28+s2+$0x0], $0xffff;
	[tilespmem:s19+$0x80] =	vst v34  }
0x74: {  	_ =	sdelay $0x3  }
0x75: {  	v20 =	vld.idx.msk [tilespmem:v20+s2+$0x0], $0xffff;
	[tilespmem:s20+$0x80] =	vst v26  }
0x76: {  	v21 =	vld.idx.msk [tilespmem:v21+s2+$0x0], $0xffff;
	_ =	sdelay $0x1  }
0x77: {  	[tilespmem:s25+$0x100] =	vst v27  }
0x78: {  	v52 =	vld.idx.msk [tilespmem:v29+s2+$0x0], $0xffff;
	[tilespmem:s21+$0x100] =	vst v28  }
0x79: {  	v53 =	vadd.s32 $0x1000, v0;
	v14 =	vld.idx.msk [tilespmem:v14+s2+$0x0], $0xffff;
	[tilespmem:s19+$0x100] =	vst v20  }
0x7a: {  	v15 =	vld.idx.msk [tilespmem:v15+s2+$0x0], $0xffff;
	[tilespmem:s20+$0x100] =	vst v21  }
0x7b: {  	v16 =	vld.idx.msk [tilespmem:v16+s2+$0x0], $0xffff;
	_ =	sdelay $0x1  }
0x7c: {  	[tilespmem:s25+$0x180] =	vst v52  }
0x7d: {  	v20 =	vld.idx.msk [tilespmem:v53+s2+$0x0], $0xffff;
	[tilespmem:s21+$0x180] =	vst v14  }
0x7e: {  	v54 =	vadd.s32 $0x1400, v0;
	[tilespmem:s19+$0x180] =	vst v15;
	v11 =	vld.idx.msk [tilespmem:v11+s2+$0x0], $0xffff  }
0x7f: {  	[tilespmem:s20+$0x180] =	vst v16;
	v12 =	vld.idx.msk [tilespmem:v12+s2+$0x0], $0xffff  }
0x80: {  	[tilespmem:s15+$0x280] =	vst v24;
	v10 =	vld.idx.msk [tilespmem:v10+s2+$0x0], $0xffff  }
0x81: {  	[tilespmem:s17+$0x380] =	vst v25  }
0x82: {  	v5 =	vld.idx.msk [tilespmem:v5+s2+$0x0], $0xffff;
	[tilespmem:s25+$0x200] =	vst v20  }
0x83: {  	v14 =	vld.idx.msk [tilespmem:v54+s2+$0x0], $0xffff;
	[tilespmem:s21+$0x200] =	vst v11  }
0x84: {  	v55 =	vadd.s32 $0x1800, v0;
	[tilespmem:s19+$0x200] =	vst v12;
	v7 =	vld.idx.msk [tilespmem:v7+s2+$0x0], $0xffff  }
0x85: {  	[tilespmem:s20+$0x200] =	vst v10;
	v9 =	vld.idx.msk [tilespmem:v9+s2+$0x0], $0xffff  }
0x86: {  	[tilespmem:s16+$0x300] =	vst v23;
	v8 =	vld.idx.msk [tilespmem:v8+s2+$0x0], $0xffff  }
0x87: {  	v4 =	vld.idx.msk [tilespmem:v4+s2+$0x0], $0xffff;
	[tilespmem:s14+$0x300] =	vst v5  }
0x88: {  	v1 =	vld.idx.msk [tilespmem:v1+s2+$0x0], $0xffff;
	[tilespmem:s25+$0x280] =	vst v14  }
0x89: {  	v56 =	vld.idx.msk [tilespmem:v55+s2+$0x0], $0xffff;
	[tilespmem:s21+$0x280] =	vst v7  }
0x8a: {  	v57 =	vadd.s32 $0x1C00, v0;
	[tilespmem:s19+$0x280] =	vst v9;
	v6 =	vld.idx.msk [tilespmem:v6+s2+$0x0], $0xffff  }
0x8b: {  	[tilespmem:s20+$0x280] =	vst v8;
	v58 =	vld.idx.msk [tilespmem:v22+s2+$0x0], $0xffff  }
0x8c: {  	[tilespmem:s15+$0x300] =	vst v4;
	v59 =	vld.idx.msk [tilespmem:v19+s2+$0x0], $0xffff  }
0x8d: {  	v3 =	vld.idx.msk [tilespmem:v3+s2+$0x0], $0xffff;
	[tilespmem:s16+$0x380] =	vst v1  }
0x8e: {  	v60 =	vld.idx.msk [tilespmem:v2+s2+$0x0], $0xffff;
	[tilespmem:s25+$0x300] =	vst v56  }
0x8f: {  	v0 =	vld.idx.msk [tilespmem:v57+s2+$0x0], $0xffff;
	[tilespmem:s21+$0x300] =	vst v6  }
0x90: {  	v61 =	vld.idx.msk [tilespmem:v18+s2+$0x0], $0xffff;
	[tilespmem:s19+$0x300] =	vst v58  }
0x91: {  	v62 =	vld.idx.msk [tilespmem:v17+s2+$0x0], $0xffff;
	[tilespmem:s20+$0x300] =	vst v59  }
0x92: {  	[tilespmem:s14+$0x380] =	vst v3;
	v63 =	vld.idx.msk [tilespmem:v13+s2+$0x0], $0xffff  }
0x93: {  	[tilespmem:s15+$0x380] =	vst v60  }
0x94: {  	[tilespmem:s25+$0x380] =	vst v0  }
0x95: {  	s13 =	sadd.s32 $0x1, s13;
	[tilespmem:s21+$0x380] =	vst v61  }
0x96: {  	s0 =	simm.s32 $0x1400;
	p0 =	sne.s32 s13, s6;
	[tilespmem:s19+$0x380] =	vst v62  }
.Ltmp1:
0x97: {  	s1 =	simm.s32 $0x28000;
	s7 =	simm.s32 $0x3400;
	[tilespmem:s20+$0x380] =	vst v63;
	(pc) =	sbr.rel @p0 .LBB2_1-.Ltmp1, $4  }
0x98: {  	[hbm4b:s5+s0] =	stream.strided.scatter [tilespmem:s7], [sflag:$0x2], $0xA000, s1, s0, $0x38;
	[tilespmem:$0xD400] =	vst v63  }
0x99: {  	_ =	swait.ge [sflag:s12], $0xA000  }
0x9a: {  	[sflag:s12] =	ssyncset.done $0x0  }
0x9b: {  	[sflag:s12] =	ssyncadd.s32 $0xFFFF6000  }
0x9c: {  	_ =	sfence.sel $0x180000  }
0x9d: {  	[bflag:$0x0] =	sbarrier.arrive $0xFFFF  }
0x9e: {  	_ =	strace $0x90000047  }
0x9f: {  	s0 =	stileid.u32;
	[bflag:$0x2] =	sbarrier.arrive $0xFFFF  }
0xa0: {  	p0 =	sne.s32 s0, $0x0;
	s0 =	rddreg [dreg:$0x2]  }
0xa1: {  	s0 =	sadd.s32 @!p0 $0x100000, s0  }
0xa2: {  	[sflag:s0] =	ssyncadd.tile.s32 @!p0 $0x1;
	_ =	shalt  }
.Lfunc_end2:
_tile_overlayer_lowered:
.L_overlay_start_2:
0xa3: {  	(tag) =	ssettag $0x2  }
0xa4: {  	s0 =	rddreg [dreg:$0x0];
	s2 =	stileid.u32  }
0xa5: {  	s1 =	rddreg [dreg:$0x1];
	p0 =	sne.s32 s2, $0x0  }
0xa6: {  	s3 =	rddreg [dreg:$0x2];
	[bflag:$0x3] =	sbarrier.arrive $0xFFFF;
	s2 =	simm.s32 @!p0 $0x1C02  }
0xa7: {  	[timem:s3], [sflag:s2] =	dma.local @!p0 [hbm:s0], s1  }
0xa8: {  	s0 =	simm.s32 @!p0 $0x2  }
0xa9: {  	_ =	swait.ge @!p0 [sflag:s0], s1  }
0xaa: {  	s1 =	ssub.s32 @!p0 $0x0, s1;
	[sflag:s0] =	ssyncset.done @!p0 $0x0  }
0xab: {  	[sflag:s0] =	ssyncadd.s32 @!p0 s1  }
0xac: {  	[bflag:$0x3] =	sbarrier.arrive $0xFFFF  }
0xad: {  	_ =	shalt  }

</sc_bundles>
